<compile_context>
chip_gen: v7x
topology: tpu7x:2x2x1
jax: 0.10.2.dev20260603
libtpu: 0.0.44.dev20260713+nightly
codegen_flags: <defaults>
</compile_context>

<pallas_src>
import jax
import jax.numpy as jnp
from jax import lax
from jax.experimental import pallas as pl
from jax.experimental.pallas import tpu as pltpu
from jax.experimental.pallas import tpu_sc as plsc

VOCAB = 100000
D = 64
N_PAIRS = 4096 * 50
NC = 2
NS = 16
NW = NC * NS
PER_W = N_PAIRS // NW
CHUNK = 128
N_CHUNKS = PER_W // CHUNK
LANES = 16
GROUPS = CHUNK // LANES

_EPS = 1e-12


def _rsqrt_fast(x):
    i = plsc.bitcast(x, jnp.int32)
    i = jnp.int32(0x5F3759DF) - (i >> 1)
    y = plsc.bitcast(i, jnp.float32)
    for _ in range(3):
        y = y * (1.5 - 0.5 * x * y * y)
    return y


def _make_sc_kernel():
    mesh = plsc.VectorSubcoreMesh(core_axis_name="c", subcore_axis_name="s",
                                  num_cores=NC, num_subcores=NS)

    def body(idx_w_hbm, idx_r_hbm, w_word_hbm, w_rel_hbm, out_hbm,
             idx_w_v, idx_r_v, c_rows, t_rows, out_v, sem_c, sem_t):
        wid = lax.axis_index("s") * NC + lax.axis_index("c")
        pltpu.sync_copy(idx_w_hbm.at[wid], idx_w_v)
        pltpu.sync_copy(idx_r_hbm.at[wid], idx_r_v)

        lane_iota = lax.iota(jnp.int32, LANES)

        def compute_chunk(chunk, crows, trows):
            out_base = chunk * CHUNK

            def group_body(g, _):
                riv = g * LANES + lane_iota

                def d_body(d, carry):
                    acc, cc, tt = carry
                    dsp = jnp.zeros((LANES,), jnp.int32) + d
                    c = plsc.load_gather(crows, [riv, dsp])
                    t = plsc.load_gather(trows, [riv, dsp])
                    return acc + c * t, cc + c * c, tt + t * t

                zeros = jnp.zeros((LANES,), jnp.float32)
                acc, cc, tt = lax.fori_loop(0, D, d_body,
                                            (zeros, zeros, zeros))
                denom = jnp.maximum(cc, _EPS) * jnp.maximum(tt, _EPS)
                z = acc * _rsqrt_fast(denom)
                p = 1.0 / (1.0 + jnp.exp(-z))
                out_v[pl.ds(out_base + g * LANES, LANES)] = p
                return 0

            lax.fori_loop(0, GROUPS, group_body, 0)

        def chunk_body(j, _):
            pltpu.async_copy(w_word_hbm.at[idx_w_v.at[j]], c_rows, sem_c).wait()
            pltpu.async_copy(w_rel_hbm.at[idx_r_v.at[j]], t_rows, sem_t).wait()
            compute_chunk(j, c_rows, t_rows)
            return 0

        lax.fori_loop(0, N_CHUNKS, chunk_body, 0)
        pltpu.sync_copy(out_v, out_hbm.at[pl.ds(wid * PER_W, PER_W)])

    return pl.kernel(
        body,
        out_type=jax.ShapeDtypeStruct((N_PAIRS,), jnp.float32),
        mesh=mesh,
        compiler_params=pltpu.CompilerParams(needs_layout_passes=False,
                                             use_tc_tiling_on_sc=False),
        scratch_types=[
            pltpu.VMEM((N_CHUNKS, CHUNK), jnp.int32),
            pltpu.VMEM((N_CHUNKS, CHUNK), jnp.int32),
            pltpu.VMEM((CHUNK, D), jnp.float32),
            pltpu.VMEM((CHUNK, D), jnp.float32),
            pltpu.VMEM((PER_W,), jnp.float32),
            pltpu.SemaphoreType.DMA,
            pltpu.SemaphoreType.DMA,
        ],
    )


_sc_kernel = _make_sc_kernel()


@jax.jit
def kernel(x, W_word, W_rel):
    idx = x.astype(jnp.int32).reshape(N_PAIRS, 2)
    idx_w = idx[:, 0].reshape(NW, N_CHUNKS, CHUNK)
    idx_r = idx[:, 1].reshape(NW, N_CHUNKS, CHUNK)
    out = _sc_kernel(idx_w, idx_r, W_word, W_rel)
    return out.reshape(4096, 50, 1)

# --- scband reference (transcript-rebuilt; emitter-appended) ---
"""Pipeline reference for scband-embedding-model-41832981463124 (READ-ONLY COPY).

The authoritative reference and input builder live on the scoring server;
editing this copy changes nothing except your own understanding.
"""

import jax, jax.numpy as jnp
import numpy as np

VOCAB = 100000
D = 64
B = 4096
L = 50


def setup_inputs(seed: int = 0) -> dict:
    key = jax.random.key(seed)
    k1, k2, k3 = jax.random.split(key, 3)
    x = jax.random.randint(k1, (B, L, 2), 0, VOCAB)
    W_word = jax.random.normal(k2, (VOCAB, D), dtype=jnp.float32) * 0.05
    W_rel = jax.random.normal(k3, (VOCAB, D), dtype=jnp.float32) * 0.05
    return {"x": x, "W_word": W_word, "W_rel": W_rel}


def _l2_normalize(v, axis=-1, eps=1e-12):
    sq = jnp.sum(v * v, axis=axis, keepdims=True)
    return v * jax.lax.rsqrt(jnp.maximum(sq, eps))


def reference(x, W_word, W_rel):
    c = jnp.take(W_word, x[:, :, 0], axis=0)
    t = jnp.take(W_rel, x[:, :, 1], axis=0)
    c = _l2_normalize(c, axis=-1)
    t = _l2_normalize(t, axis=-1)
    pred = jax.nn.sigmoid(jnp.sum(c * t, axis=-1, keepdims=True))
    return pred

if __name__ == "__main__":
    import jax
    _d = setup_inputs()
    print(jax.jit(kernel)(*tuple(_d.values())))

</pallas_src>

<mosaic_0001>
#map = affine_map<(d0, d1) -> (0, 0, 0)>
#map1 = affine_map<(d0, d1) -> (0, 0)>
#map2 = affine_map<(d0, d1) -> (0)>
module attributes {stable_mosaic.version = 14 : i64} {
  func.func @body(%arg0: i32, %arg1: i32, %arg2: memref<32x50x128xi32, #tpu.memory_space<hbm>>, %arg3: memref<32x50x128xi32, #tpu.memory_space<hbm>>, %arg4: memref<100000x64xf32, #tpu.memory_space<hbm>>, %arg5: memref<100000x64xf32, #tpu.memory_space<hbm>>, %arg6: memref<204800xf32, #tpu.memory_space<hbm>>, %arg7: memref<50x128xi32, #tpu.memory_space<vmem>>, %arg8: memref<50x128xi32, #tpu.memory_space<vmem>>, %arg9: memref<128x64xf32, #tpu.memory_space<vmem>>, %arg10: memref<128x64xf32, #tpu.memory_space<vmem>>, %arg11: memref<6400xf32, #tpu.memory_space<vmem>>, %arg12: memref<!tpu.dma_semaphore, #tpu.memory_space<semaphore_mem>>, %arg13: memref<!tpu.dma_semaphore, #tpu.memory_space<semaphore_mem>>) attributes {dimension_semantics = [#tpu.dimension_semantics<core_parallel>, #tpu.dimension_semantics<subcore_parallel>], iteration_bounds = array<i64: 2, 16>, scalar_prefetch = 0 : i64, scratch_operands = 7 : i64, tpu.core_type = #tpu.core_type<sc_vector_subcore>, window_params = [{transform_indices = #map}, {transform_indices = #map}, {transform_indices = #map1}, {transform_indices = #map1}, {transform_indices = #map2}]} {
    %mul3A = arith.constant 2 : i32
    %mul3A_0 = arith.muli %arg1, %mul3A : i32
    %add3A = arith.addi %mul3A_0, %arg0 : i32
    "tpu.region"() ({
      %run_scoped3A = tpu.sem_alloc : memref<!tpu.dma_semaphore, #tpu.memory_space<semaphore_mem>>
      %dma_start3A = arith.constant 0 : i32
      %dma_start3A_9 = arith.constant 0 : i32
      %dma_start3A_10 = tpu.memref_slice %arg2[%add3A, %dma_start3A, %dma_start3A_9] : memref<32x50x128xi32, #tpu.memory_space<hbm>> -> memref<1x50x128xi32, #tpu.memory_space<hbm>>
      %dma_start3A_11 = tpu.memref_squeeze %dma_start3A_10 : memref<1x50x128xi32, #tpu.memory_space<hbm>> -> memref<50x128xi32, #tpu.memory_space<hbm>>
      %dma_start3A_12 = arith.constant 0 : i32
      %dma_start3A_13 = arith.constant 0 : i32
      %dma_start3A_14 = tpu.memref_slice %arg2[%add3A, %dma_start3A_12, %dma_start3A_13] : memref<32x50x128xi32, #tpu.memory_space<hbm>> -> memref<1x50x128xi32, #tpu.memory_space<hbm>>
      %dma_start3A_15 = tpu.memref_squeeze %dma_start3A_14 : memref<1x50x128xi32, #tpu.memory_space<hbm>> -> memref<50x128xi32, #tpu.memory_space<hbm>>
      tpu.enqueue_dma source(%dma_start3A_15 : memref<50x128xi32, #tpu.memory_space<hbm>>) target(%arg7 : memref<50x128xi32, #tpu.memory_space<vmem>>) target_semaphore(%run_scoped3A : memref<!tpu.dma_semaphore, #tpu.memory_space<semaphore_mem>>)
      %dma_wait3A = arith.constant 0 : i32
      %dma_wait3A_16 = arith.constant 0 : i32
      %dma_wait3A_17 = tpu.memref_slice %arg2[%add3A, %dma_wait3A, %dma_wait3A_16] : memref<32x50x128xi32, #tpu.memory_space<hbm>> -> memref<1x50x128xi32, #tpu.memory_space<hbm>>
      %dma_wait3A_18 = tpu.memref_squeeze %dma_wait3A_17 : memref<1x50x128xi32, #tpu.memory_space<hbm>> -> memref<50x128xi32, #tpu.memory_space<hbm>>
      %dma_wait3A_19 = arith.constant 0 : i32
      %dma_wait3A_20 = arith.constant 0 : i32
      %dma_wait3A_21 = tpu.memref_slice %arg2[%add3A, %dma_wait3A_19, %dma_wait3A_20] : memref<32x50x128xi32, #tpu.memory_space<hbm>> -> memref<1x50x128xi32, #tpu.memory_space<hbm>>
      %dma_wait3A_22 = tpu.memref_squeeze %dma_wait3A_21 : memref<1x50x128xi32, #tpu.memory_space<hbm>> -> memref<50x128xi32, #tpu.memory_space<hbm>>
      tpu.wait_dma2 semaphore(%run_scoped3A : memref<!tpu.dma_semaphore, #tpu.memory_space<semaphore_mem>>) src(%dma_wait3A_22 : memref<50x128xi32, #tpu.memory_space<hbm>>) dst(%arg7 : memref<50x128xi32, #tpu.memory_space<vmem>>)
      tpu.yield
    }) : () -> ()
    "tpu.region"() ({
      %run_scoped3A = tpu.sem_alloc : memref<!tpu.dma_semaphore, #tpu.memory_space<semaphore_mem>>
      %dma_start3A = arith.constant 0 : i32
      %dma_start3A_9 = arith.constant 0 : i32
      %dma_start3A_10 = tpu.memref_slice %arg3[%add3A, %dma_start3A, %dma_start3A_9] : memref<32x50x128xi32, #tpu.memory_space<hbm>> -> memref<1x50x128xi32, #tpu.memory_space<hbm>>
      %dma_start3A_11 = tpu.memref_squeeze %dma_start3A_10 : memref<1x50x128xi32, #tpu.memory_space<hbm>> -> memref<50x128xi32, #tpu.memory_space<hbm>>
      %dma_start3A_12 = arith.constant 0 : i32
      %dma_start3A_13 = arith.constant 0 : i32
      %dma_start3A_14 = tpu.memref_slice %arg3[%add3A, %dma_start3A_12, %dma_start3A_13] : memref<32x50x128xi32, #tpu.memory_space<hbm>> -> memref<1x50x128xi32, #tpu.memory_space<hbm>>
      %dma_start3A_15 = tpu.memref_squeeze %dma_start3A_14 : memref<1x50x128xi32, #tpu.memory_space<hbm>> -> memref<50x128xi32, #tpu.memory_space<hbm>>
      tpu.enqueue_dma source(%dma_start3A_15 : memref<50x128xi32, #tpu.memory_space<hbm>>) target(%arg8 : memref<50x128xi32, #tpu.memory_space<vmem>>) target_semaphore(%run_scoped3A : memref<!tpu.dma_semaphore, #tpu.memory_space<semaphore_mem>>)
      %dma_wait3A = arith.constant 0 : i32
      %dma_wait3A_16 = arith.constant 0 : i32
      %dma_wait3A_17 = tpu.memref_slice %arg3[%add3A, %dma_wait3A, %dma_wait3A_16] : memref<32x50x128xi32, #tpu.memory_space<hbm>> -> memref<1x50x128xi32, #tpu.memory_space<hbm>>
      %dma_wait3A_18 = tpu.memref_squeeze %dma_wait3A_17 : memref<1x50x128xi32, #tpu.memory_space<hbm>> -> memref<50x128xi32, #tpu.memory_space<hbm>>
      %dma_wait3A_19 = arith.constant 0 : i32
      %dma_wait3A_20 = arith.constant 0 : i32
      %dma_wait3A_21 = tpu.memref_slice %arg3[%add3A, %dma_wait3A_19, %dma_wait3A_20] : memref<32x50x128xi32, #tpu.memory_space<hbm>> -> memref<1x50x128xi32, #tpu.memory_space<hbm>>
      %dma_wait3A_22 = tpu.memref_squeeze %dma_wait3A_21 : memref<1x50x128xi32, #tpu.memory_space<hbm>> -> memref<50x128xi32, #tpu.memory_space<hbm>>
      tpu.wait_dma2 semaphore(%run_scoped3A : memref<!tpu.dma_semaphore, #tpu.memory_space<semaphore_mem>>) src(%dma_wait3A_22 : memref<50x128xi32, #tpu.memory_space<hbm>>) dst(%arg8 : memref<50x128xi32, #tpu.memory_space<vmem>>)
      tpu.yield
    }) : () -> ()
    %iota3A = tpu.iota {dimensions = array<i32: 0>} : vector<16xi32>
    %scan3A = arith.constant 0 : i32
    %scan3A_1 = arith.constant 0 : i32
    %scan3A_2 = arith.constant 50 : i32
    %scan3A_3 = arith.addi %scan3A_1, %scan3A_2 : i32
    %scan3A_4 = arith.constant 1 : i32
    %scan3A_5 = scf.for %scan3A_9 = %scan3A_1 to %scan3A_3 step %scan3A_4 iter_args(%scan3A_10 = %scan3A) -> (i32)  : i32 {
      %dma_start3A = arith.constant 0 : i32
      %dma_start3A_11 = tpu.memref_slice %arg7[%scan3A_9, %dma_start3A] : memref<50x128xi32, #tpu.memory_space<vmem>> -> memref<1x128xi32, #tpu.memory_space<vmem>>
      %dma_start3A_12 = tpu.memref_squeeze %dma_start3A_11 : memref<1x128xi32, #tpu.memory_space<vmem>> -> memref<128xi32, #tpu.memory_space<vmem>>
      %dma_start3A_13 = arith.constant 0 : i32
      %dma_start3A_14 = arith.constant 0 : i32
      %dma_start3A_15 = tpu.memref_slice %arg4[%dma_start3A_13, %dma_start3A_14] : memref<100000x64xf32, #tpu.memory_space<hbm>> -> memref<100000x64xf32, #tpu.memory_space<hbm>>
      tpu.enqueue_indirect_dma source(%dma_start3A_15 : memref<100000x64xf32, #tpu.memory_space<hbm>>) target(%arg9 : memref<128x64xf32, #tpu.memory_space<vmem>>) offsets(%dma_start3A_12 : memref<128xi32, #tpu.memory_space<vmem>>) semaphore(%arg12 : memref<!tpu.dma_semaphore, #tpu.memory_space<semaphore_mem>>)
      %dma_wait3A = arith.constant 0 : i32
      %dma_wait3A_16 = tpu.memref_slice %arg7[%scan3A_9, %dma_wait3A] : memref<50x128xi32, #tpu.memory_space<vmem>> -> memref<1x128xi32, #tpu.memory_space<vmem>>
      %dma_wait3A_17 = tpu.memref_squeeze %dma_wait3A_16 : memref<1x128xi32, #tpu.memory_space<vmem>> -> memref<128xi32, #tpu.memory_space<vmem>>
      %dma_wait3A_18 = arith.constant 0 : i32
      %dma_wait3A_19 = arith.constant 0 : i32
      %dma_wait3A_20 = tpu.memref_slice %arg4[%dma_wait3A_18, %dma_wait3A_19] : memref<100000x64xf32, #tpu.memory_space<hbm>> -> memref<100000x64xf32, #tpu.memory_space<hbm>>
      tpu.wait_indirect_dma semaphore(%arg12 : memref<!tpu.dma_semaphore, #tpu.memory_space<semaphore_mem>>) src(%dma_wait3A_20 : memref<100000x64xf32, #tpu.memory_space<hbm>>) dst(%arg9 : memref<128x64xf32, #tpu.memory_space<vmem>>)
      %dma_start3A_21 = arith.constant 0 : i32
      %dma_start3A_22 = tpu.memref_slice %arg8[%scan3A_9, %dma_start3A_21] : memref<50x128xi32, #tpu.memory_space<vmem>> -> memref<1x128xi32, #tpu.memory_space<vmem>>
      %dma_start3A_23 = tpu.memref_squeeze %dma_start3A_22 : memref<1x128xi32, #tpu.memory_space<vmem>> -> memref<128xi32, #tpu.memory_space<vmem>>
      %dma_start3A_24 = arith.constant 0 : i32
      %dma_start3A_25 = arith.constant 0 : i32
      %dma_start3A_26 = tpu.memref_slice %arg5[%dma_start3A_24, %dma_start3A_25] : memref<100000x64xf32, #tpu.memory_space<hbm>> -> memref<100000x64xf32, #tpu.memory_space<hbm>>
      tpu.enqueue_indirect_dma source(%dma_start3A_26 : memref<100000x64xf32, #tpu.memory_space<hbm>>) target(%arg10 : memref<128x64xf32, #tpu.memory_space<vmem>>) offsets(%dma_start3A_23 : memref<128xi32, #tpu.memory_space<vmem>>) semaphore(%arg13 : memref<!tpu.dma_semaphore, #tpu.memory_space<semaphore_mem>>)
      %dma_wait3A_27 = arith.constant 0 : i32
      %dma_wait3A_28 = tpu.memref_slice %arg8[%scan3A_9, %dma_wait3A_27] : memref<50x128xi32, #tpu.memory_space<vmem>> -> memref<1x128xi32, #tpu.memory_space<vmem>>
      %dma_wait3A_29 = tpu.memref_squeeze %dma_wait3A_28 : memref<1x128xi32, #tpu.memory_space<vmem>> -> memref<128xi32, #tpu.memory_space<vmem>>
      %dma_wait3A_30 = arith.constant 0 : i32
      %dma_wait3A_31 = arith.constant 0 : i32
      %dma_wait3A_32 = tpu.memref_slice %arg5[%dma_wait3A_30, %dma_wait3A_31] : memref<100000x64xf32, #tpu.memory_space<hbm>> -> memref<100000x64xf32, #tpu.memory_space<hbm>>
      tpu.wait_indirect_dma semaphore(%arg13 : memref<!tpu.dma_semaphore, #tpu.memory_space<semaphore_mem>>) src(%dma_wait3A_32 : memref<100000x64xf32, #tpu.memory_space<hbm>>) dst(%arg10 : memref<128x64xf32, #tpu.memory_space<vmem>>)
      %mul3A_33 = arith.constant 128 : i32
      %mul3A_34 = arith.muli %scan3A_9, %mul3A_33 : i32
      %scan3A_35 = arith.constant 0 : i32
      %scan3A_36 = arith.constant 0 : i32
      %scan3A_37 = arith.constant 8 : i32
      %scan3A_38 = arith.addi %scan3A_36, %scan3A_37 : i32
      %scan3A_39 = arith.constant 1 : i32
      %scan3A_40 = scf.for %scan3A_43 = %scan3A_36 to %scan3A_38 step %scan3A_39 iter_args(%scan3A_44 = %scan3A_35) -> (i32)  : i32 {
        %mul3A_45 = arith.constant 16 : i32
        %mul3A_46 = arith.muli %scan3A_43, %mul3A_45 : i32
        %add3A_47 = vector.broadcast %mul3A_46 : i32 to vector<16xi32>
        %add3A_48 = arith.addi %add3A_47, %iota3A : vector<16xi32>
        %broadcast_in_dim3A = arith.constant 0.000000e+00 : f32
        %broadcast_in_dim3A_49 = vector.broadcast %broadcast_in_dim3A : f32 to vector<16xf32>
        %scan3A_50 = arith.constant 0 : i32
        %scan3A_51 = arith.constant 64 : i32
        %scan3A_52 = arith.addi %scan3A_50, %scan3A_51 : i32
        %scan3A_53 = arith.constant 1 : i32
        %scan3A_54:3 = scf.for %scan3A_107 = %scan3A_50 to %scan3A_52 step %scan3A_53 iter_args(%scan3A_108 = %broadcast_in_dim3A_49, %scan3A_109 = %broadcast_in_dim3A_49, %scan3A_110 = %broadcast_in_dim3A_49) -> (vector<16xf32>, vector<16xf32>, vector<16xf32>)  : i32 {
          %broadcast_in_dim3A_111 = arith.constant 0 : i32
          %broadcast_in_dim3A_112 = vector.broadcast %broadcast_in_dim3A_111 : i32 to vector<16xi32>
          %add3A_113 = vector.broadcast %scan3A_107 : i32 to vector<16xi32>
          %add3A_114 = arith.addi %broadcast_in_dim3A_112, %add3A_113 : vector<16xi32>
          %gather3A = tpu.vector_load_idx %arg9[%add3A_48, %add3A_114] : memref<128x64xf32, #tpu.memory_space<vmem>>[vector<16xi32>, vector<16xi32>], vector<16xf32>,
          %gather3A_115 = tpu.vector_load_idx %arg10[%add3A_48, %add3A_114] : memref<128x64xf32, #tpu.memory_space<vmem>>[vector<16xi32>, vector<16xi32>], vector<16xf32>,
          %mul3A_116 = arith.mulf %gather3A, %gather3A_115 : vector<16xf32>
          %add3A_117 = arith.addf %scan3A_108, %mul3A_116 : vector<16xf32>
          %mul3A_118 = arith.mulf %gather3A, %gather3A : vector<16xf32>
          %add3A_119 = arith.addf %scan3A_109, %mul3A_118 : vector<16xf32>
          %mul3A_120 = arith.mulf %gather3A_115, %gather3A_115 : vector<16xf32>
          %add3A_121 = arith.addf %scan3A_110, %mul3A_120 : vector<16xf32>
          scf.yield %add3A_117, %add3A_119, %add3A_121 : vector<16xf32>, vector<16xf32>, vector<16xf32>
        }
        %scan3A_55 = arith.constant 64 : i32
        %max3A = arith.constant 9.99999996E-13 : f32
        %max3A_56 = vector.broadcast %max3A : f32 to vector<16xf32>
        %max3A_57 = arith.maximumf %scan3A_54#1, %max3A_56 : vector<16xf32>
        %max3A_58 = arith.constant 9.99999996E-13 : f32
        %max3A_59 = vector.broadcast %max3A_58 : f32 to vector<16xf32>
        %max3A_60 = arith.maximumf %scan3A_54#2, %max3A_59 : vector<16xf32>
        %mul3A_61 = arith.mulf %max3A_57, %max3A_60 : vector<16xf32>
        %bitcast3A = vector.bitcast %mul3A_61 : vector<16xf32> to vector<16xi32>
        %shift_right_arithmetic3A = arith.constant 1 : i32
        %shift_right_arithmetic3A_62 = vector.broadcast %shift_right_arithmetic3A : i32 to vector<16xi32>
        %shift_right_arithmetic3A_63 = arith.shrsi %bitcast3A, %shift_right_arithmetic3A_62 : vector<16xi32>
        %sub3A = arith.constant 1597463007 : i32
        %sub3A_64 = vector.broadcast %sub3A : i32 to vector<16xi32>
        %sub3A_65 = arith.subi %sub3A_64, %shift_right_arithmetic3A_63 : vector<16xi32>
        %bitcast3A_66 = vector.bitcast %sub3A_65 : vector<16xi32> to vector<16xf32>
        %mul3A_67 = arith.constant 5.000000e-01 : f32
        %mul3A_68 = vector.broadcast %mul3A_67 : f32 to vector<16xf32>
        %mul3A_69 = arith.mulf %mul3A_68, %mul3A_61 : vector<16xf32>
        %mul3A_70 = arith.mulf %mul3A_69, %bitcast3A_66 : vector<16xf32>
        %mul3A_71 = arith.mulf %mul3A_70, %bitcast3A_66 : vector<16xf32>
        %sub3A_72 = arith.constant 1.500000e+00 : f32
        %sub3A_73 = vector.broadcast %sub3A_72 : f32 to vector<16xf32>
        %sub3A_74 = arith.subf %sub3A_73, %mul3A_71 : vector<16xf32>
        %mul3A_75 = arith.mulf %bitcast3A_66, %sub3A_74 : vector<16xf32>
        %mul3A_76 = arith.constant 5.000000e-01 : f32
        %mul3A_77 = vector.broadcast %mul3A_76 : f32 to vector<16xf32>
        %mul3A_78 = arith.mulf %mul3A_77, %mul3A_61 : vector<16xf32>
        %mul3A_79 = arith.mulf %mul3A_78, %mul3A_75 : vector<16xf32>
        %mul3A_80 = arith.mulf %mul3A_79, %mul3A_75 : vector<16xf32>
        %sub3A_81 = arith.constant 1.500000e+00 : f32
        %sub3A_82 = vector.broadcast %sub3A_81 : f32 to vector<16xf32>
        %sub3A_83 = arith.subf %sub3A_82, %mul3A_80 : vector<16xf32>
        %mul3A_84 = arith.mulf %mul3A_75, %sub3A_83 : vector<16xf32>
        %mul3A_85 = arith.constant 5.000000e-01 : f32
        %mul3A_86 = vector.broadcast %mul3A_85 : f32 to vector<16xf32>
        %mul3A_87 = arith.mulf %mul3A_86, %mul3A_61 : vector<16xf32>
        %mul3A_88 = arith.mulf %mul3A_87, %mul3A_84 : vector<16xf32>
        %mul3A_89 = arith.mulf %mul3A_88, %mul3A_84 : vector<16xf32>
        %sub3A_90 = arith.constant 1.500000e+00 : f32
        %sub3A_91 = vector.broadcast %sub3A_90 : f32 to vector<16xf32>
        %sub3A_92 = arith.subf %sub3A_91, %mul3A_89 : vector<16xf32>
        %mul3A_93 = arith.mulf %mul3A_84, %sub3A_92 : vector<16xf32>
        %mul3A_94 = arith.mulf %scan3A_54#0, %mul3A_93 : vector<16xf32>
        %neg3A = arith.constant 0.000000e+00 : f32
        %neg3A_95 = vector.broadcast %neg3A : f32 to vector<16xf32>
        %neg3A_96 = arith.subf %neg3A_95, %mul3A_94 : vector<16xf32>
        %exp3A = math.exp %neg3A_96 : vector<16xf32>
        %add3A_97 = arith.constant 1.000000e+00 : f32
        %add3A_98 = vector.broadcast %add3A_97 : f32 to vector<16xf32>
        %add3A_99 = arith.addf %add3A_98, %exp3A : vector<16xf32>
        %div3A = arith.constant 1.000000e+00 : f32
        %div3A_100 = vector.broadcast %div3A : f32 to vector<16xf32>
        %div3A_101 = arith.divf %div3A_100, %add3A_99 : vector<16xf32>
        %mul3A_102 = arith.constant 16 : i32
        %mul3A_103 = arith.muli %scan3A_43, %mul3A_102 : i32
        %add3A_104 = arith.addi %mul3A_34, %mul3A_103 : i32
        %swap3A = arith.index_cast %add3A_104 : i32 to index
        %swap3A_105 = tpu.vector_load %arg11[%swap3A] {strides = array<i32>} : memref<6400xf32, #tpu.memory_space<vmem>>, vector<16xf32>,
        tpu.vector_store %arg11[%swap3A], %div3A_101 {strides = array<i32>} : memref<6400xf32, #tpu.memory_space<vmem>>, vector<16xf32>,
        %scan3A_106 = arith.constant 0 : i32
        scf.yield %scan3A_106 : i32
      }
      %scan3A_41 = arith.constant 8 : i32
      %scan3A_42 = arith.constant 0 : i32
      scf.yield %scan3A_42 : i32
    }
    %scan3A_6 = arith.constant 50 : i32
    %mul3A_7 = arith.constant 6400 : i32
    %mul3A_8 = arith.muli %add3A, %mul3A_7 : i32
    "tpu.region"() ({
      %run_scoped3A = tpu.sem_alloc : memref<!tpu.dma_semaphore, #tpu.memory_space<semaphore_mem>>
      %dma_start3A = tpu.memref_slice %arg6[%mul3A_8] : memref<204800xf32, #tpu.memory_space<hbm>> -> memref<6400xf32, #tpu.memory_space<hbm>>
      %dma_start3A_9 = tpu.memref_slice %arg6[%mul3A_8] : memref<204800xf32, #tpu.memory_space<hbm>> -> memref<6400xf32, #tpu.memory_space<hbm>>
      tpu.enqueue_dma source(%arg11 : memref<6400xf32, #tpu.memory_space<vmem>>) target(%dma_start3A_9 : memref<6400xf32, #tpu.memory_space<hbm>>) target_semaphore(%run_scoped3A : memref<!tpu.dma_semaphore, #tpu.memory_space<semaphore_mem>>)
      %dma_wait3A = tpu.memref_slice %arg6[%mul3A_8] : memref<204800xf32, #tpu.memory_space<hbm>> -> memref<6400xf32, #tpu.memory_space<hbm>>
      %dma_wait3A_10 = tpu.memref_slice %arg6[%mul3A_8] : memref<204800xf32, #tpu.memory_space<hbm>> -> memref<6400xf32, #tpu.memory_space<hbm>>
      tpu.wait_dma2 semaphore(%run_scoped3A : memref<!tpu.dma_semaphore, #tpu.memory_space<semaphore_mem>>) src(%arg11 : memref<6400xf32, #tpu.memory_space<vmem>>) dst(%dma_wait3A_10 : memref<6400xf32, #tpu.memory_space<hbm>>)
      tpu.yield
    }) : () -> ()
    return
  }
}

</mosaic_0001>

<sc_bundles>
// kernel: kernel.3.cloned.1.call-start
scs
__scs_entry_jumppad:
0x0: {  	(pc) =	sbr.rel $0x88, $3  }
0x1: {  	(tag) =	ssettag $0x0;
	lr =	simm.s32 $0x1  }
0x2: {  	[smem:$0x3F9E] =	sst lr;
	_ =	strace $0xD0000000  }
0x3: {  	_ = 	snop  }
0x4: {  	_ = 	snop  }
0x5: {  	_ = 	snop  }
0x6: {  	_ = 	snop  }
0x7: {  	_ = 	snop  }
__scs_overlays_trampoline_lowered:
0x8: {  	[smem:$0x3FAD] =	sst s0  }
0x9: {  	[smem:$0x3FAE] =	sst s1  }
0xa: {  	[smem:$0x3FAF] =	sst s2  }
0xb: {  	[smem:$0x3FB0] =	sst s3  }
0xc: {  	[smem:$0x3FB1] =	sst s4  }
0xd: {  	[smem:$0x3FB2] =	sst s5  }
0xe: {  	[smem:$0x3FB3] =	sst s6  }
0xf: {  	[smem:$0x3FB4] =	sst s7  }
0x10: {  	[smem:$0x3FB5] =	sst s8  }
0x11: {  	[smem:$0x3FB6] =	sst s9;
	s0 =	simm.s32 @!p0 $0x0  }
0x12: {  	s1 =	sld [smem:$0x3F9C];
	s0 =	simm.s32 @p0 $0x1  }
0x13: {  	[smem:$0x3FB7] =	sst s0;
	s0 =	simm.s32 @!p1 $0x0  }
0x14: {  	s2 =	sld [smem:$0x3F9B];
	s0 =	simm.s32 @p1 $0x1  }
0x15: {  	[smem:$0x3FB8] =	sst s0;
	s0 =	simm.s32 @!p2 $0x0  }
0x16: {  	s3 =	sld [smem:$0x3FDB];
	s0 =	simm.s32 @p2 $0x1  }
0x17: {  	s4 =	simm.s32 $0x1BF5;
	[smem:$0x3FBA] =	sst s0  }
0x18: {  	s0 =	sld [smem:$0x3F9D];
	_ =	swait.ge [sflag:s4], $0x0  }
0x19: {  	s7 =	sld [smem:$0x3F9E]  }
0x1a: {  	s8 =	sadd.s32 $0xFFFFE003, lr  }
0x1b: {  	s9 =	sadd.s32 $0xFFFFFEF7, lr;
	s5 =	simm.s32 $0xFFFFFFFF;
	p2 =	slt.u32 s8, $0xFFFFF086  }
0x1c: {  	p1 =	slt.u32 s9, $0xF7A;
	s5 =	simm.s32 @!p2 $0x0  }
0x1d: {  	s5 =	simm.s32 @p1 $0x1;
	p0 =	seq.s32 s7, s2  }
0x1e: {  	s7 =	smul.u32 @!p0 $0xF7A, s2;
	p2 =	seq.s32 @!p0 s5, $0x0  }
0x1f: {  	s9 =	smul.u32 $0xF7A, s1;
	s8 =	simm.s32 @!p0 $0x1BF5;
	p2 =	por !p2, p0  }
0x20: {  	[sflag:s8] =	ssyncset.s32 @!p0 $0xFFFFF086;
	s6 =	sadd.s32 @!p0 s3, s7;
	s7 =	simm.s32 @!p0 $0x108  }
0x21: {  	s3 =	sadd.s32 s3, s9;
	s6 =	sadd.s32 @!p0 $0x88, s6;
	s7 =	simm.s32 @p2 $0x1082  }
0x22: {  	[simem:s7], [sflag:s8] =	dma.local @!p0 [hbm:s6], $0xF7A  }
0x23: {  	s9 =	sor.u32 $0xD0000000, s2;
	s6 =	simm.s32 $0x108;
	_ =	swait.ge @!p0 [sflag:s8], $0x0  }
0x24: {  	s3 =	sadd.s32 $0x88, s3;
	s6 =	simm.s32 @!p1 $0x1082;
	[sflag:s4] =	ssyncset.s32 $0xFFFFF086  }
0x25: {  	[simem:s6], [sflag:s4] =	dma.local [hbm:s3], $0xF7A  }
0x26: {  	[smem:$0x3F9E] =	sst s1;
	(tag) =	ssettag s2;
	_ =	strace s9  }
0x27: {  	s1 =	sld [smem:$0x3FAE]  }
0x28: {  	s2 =	sld [smem:$0x3FAF]  }
0x29: {  	s4 =	sld [smem:$0x3FB1]  }
0x2a: {  	p0 =	seq.s32 s5, $0x0;
	s5 =	sld [smem:$0x3FB2]  }
0x2b: {  	s6 =	sld [smem:$0x3FB3]  }
0x2c: {  	s7 =	sld [smem:$0x3FB4]  }
0x2d: {  	s3 =	simm.s32 $0x108;
	s8 =	sld [smem:$0x3FB5]  }
0x2e: {  	s3 =	simm.s32 @!p0 $0x1082;
	s9 =	sld [smem:$0x3FB6]  }
0x2f: {  	lr =	sadd.s32 s0, s3;
	s0 =	sld [smem:$0x3FAD]  }
0x30: {  	s3 =	sld [smem:$0x3FB0]  }
0x31: {  	[smem:$0x3FB9] =	sst s10  }
0x32: {  	s10 =	sld [smem:$0x3FB7];
	_ =	sdelay $0x3  }
0x33: {  	p0 =	seq.s32 s10, $0x1;
	s10 =	sld [smem:$0x3FB9];
	_ =	sdelay $0x3  }
0x34: {  	[smem:$0x3FB9] =	sst s10  }
0x35: {  	s10 =	sld [smem:$0x3FB8];
	_ =	sdelay $0x3  }
0x36: {  	p1 =	seq.s32 s10, $0x1;
	s10 =	sld [smem:$0x3FB9];
	_ =	sdelay $0x3  }
0x37: {  	[smem:$0x3FB9] =	sst s10  }
0x38: {  	s10 =	sld [smem:$0x3FBA]  }
0x39: {  	_ = 	snop;
	(pc) =	sbr.ind lr, $3  }
0x3a: {  	_ = 	snop  }
0x3b: {  	_ = 	snop  }
0x3c: {  	p2 =	seq.s32 s10, $0x1;
	s10 =	sld [smem:$0x3FB9]  }
0x3d: {  	_ =	shalt  }
0x3e: {  	_ =	shalt  }
0x3f: {  	_ =	shalt  }
0x40: {  	_ =	shalt  }
0x41: {  	_ =	shalt  }
0x42: {  	_ =	shalt  }
0x43: {  	_ =	shalt  }
0x44: {  	_ =	shalt  }
0x45: {  	_ =	shalt  }
0x46: {  	_ =	shalt  }
0x47: {  	_ =	shalt  }
0x48: {  	_ =	shalt  }
0x49: {  	_ =	shalt  }
0x4a: {  	_ =	shalt  }
0x4b: {  	_ =	shalt  }
0x4c: {  	_ =	shalt  }
0x4d: {  	_ =	shalt  }
0x4e: {  	_ =	shalt  }
0x4f: {  	_ =	shalt  }
0x50: {  	_ =	shalt  }
0x51: {  	_ =	shalt  }
0x52: {  	_ =	shalt  }
0x53: {  	_ =	shalt  }
0x54: {  	_ =	shalt  }
0x55: {  	_ =	shalt  }
0x56: {  	_ =	shalt  }
0x57: {  	_ =	shalt  }
0x58: {  	_ =	shalt  }
0x59: {  	_ =	shalt  }
0x5a: {  	_ =	shalt  }
0x5b: {  	_ =	shalt  }
0x5c: {  	_ =	shalt  }
0x5d: {  	_ =	shalt  }
0x5e: {  	_ =	shalt  }
0x5f: {  	_ =	shalt  }
0x60: {  	_ =	shalt  }
0x61: {  	_ =	shalt  }
0x62: {  	_ =	shalt  }
0x63: {  	_ =	shalt  }
0x64: {  	_ =	shalt  }
0x65: {  	_ =	shalt  }
0x66: {  	_ =	shalt  }
0x67: {  	_ =	shalt  }
0x68: {  	_ =	shalt  }
0x69: {  	_ =	shalt  }
0x6a: {  	_ =	shalt  }
0x6b: {  	_ =	shalt  }
0x6c: {  	_ =	shalt  }
0x6d: {  	_ =	shalt  }
0x6e: {  	_ =	shalt  }
0x6f: {  	_ =	shalt  }
0x70: {  	_ =	shalt  }
0x71: {  	_ =	shalt  }
0x72: {  	_ =	shalt  }
0x73: {  	_ =	shalt  }
0x74: {  	_ =	shalt  }
0x75: {  	_ =	shalt  }
0x76: {  	_ =	shalt  }
0x77: {  	_ =	shalt  }
0x78: {  	_ =	shalt  }
0x79: {  	_ =	shalt  }
0x7a: {  	_ =	shalt  }
0x7b: {  	_ =	shalt  }
0x7c: {  	_ =	shalt  }
0x7d: {  	_ =	shalt  }
0x7e: {  	_ =	shalt  }
0x7f: {  	_ =	shalt  }
0x80: {  	_ =	shalt  }
0x81: {  	_ =	shalt  }
0x82: {  	_ =	shalt  }
0x83: {  	_ =	shalt  }
0x84: {  	_ =	shalt  }
0x85: {  	_ =	shalt  }
0x86: {  	_ =	shalt  }
0x87: {  	_ =	shalt  }
.Lfunc_end0:
.L_simem_size_0:
called_computation_lowered:
.L_overlay_start_0:
0x88: {  	s2 =	sld [smem:$0x3FD9]  }
0x89: {  	s3 =	sld [smem:$0x3FFE];
	_ =	sdelay $0x1  }
0x8a: {  	s1 =	srdreg.scid  }
0x8b: {  	s0 =	sand.u32 $0x1, s1  }
0x8c: {  	s17 =	sshll.u32 s0, $0xA;
	s2 =	sadd.s32 s3, s2  }
0x8d: {  	s2 =	sadd.s32 s2, s17  }
0x8e: {  	[smem:$0x3FC5] =	sst s2  }
0x8f: {  	_ = 	snop  }
0x90: {  	s2 =	sld [smem:$0x3FD0];
	(tm) =	ssettm $0x1  }
0x91: {  	s18 =	sld [smem:$0x3FFB];
	_ =	sdelay $0x3  }
0x92: {  	_ =	strace s18  }
0x93: {  	s3 =	sld [smem:$0x3FFC];
	_ =	sdelay $0x3  }
0x94: {  	_ =	strace s3  }
0x95: {  	s3 =	sld [smem:$0x3FFD];
	_ =	sdelay $0x3  }
0x96: {  	_ =	strace s3  }
0x97: {  	_ =	strace $0x8FFFFFFF  }
0x98: {  	s19 =	sld [smem:$0x3FDB];
	_ =	sdelay $0x1  }
0x99: {  	s4 =	simm.s32 $_scs_section_size  }
0x9a: {  	s5 =	simm.s32 $_size__tile_overlayer_lowered;
	s6 =	simm.s32 $_tile_overlayer_lowered  }
0x9b: {  	s22 =	simm.s32 $0x1BFF;
	s21 =	sshll.u32 s6, $0x1;
	s3 =	sadd.s32 s4, s19  }
0x9c: {  	s7 =	simm.s32 $0x0;
	s20 =	sshll.u32 s5, $0x1;
	s5 =	sadd.s32 s21, s3  }
0x9d: {  	[timem:s7], [sflag:s22] =	dma.local [hbm:s5], s20  }
0x9e: {  	_ =	swait.ge [sflag:s22], s20  }
0x9f: {  	s4 =	ssub.s32 $0x0, s20;
	[sflag:s22] =	ssyncset.done $0x0  }
0xa0: {  	[sflag:s22] =	ssyncadd.s32 s4;
	_ =	sdelay $0x1  }
0xa1: {  	s23 =	simm.s32 $0x1B8B  }
0xa2: {  	_ =	swait.ge [sflag:s23], $0x1  }
0xa3: {  	[sflag:s23] =	ssyncset.done $0x0  }
0xa4: {  	s25 =	simm.s32 $0x1B8E;
	s24 =	sld [smem:$0x3FFE];
	[sflag:s23] =	ssyncadd.s32 $0xFFFFFFFF  }
0xa5: {  	s26 =	simm.s32 $execute0_lowered;
	[smem:$0x3FD2] =	sst s25  }
0xa6: {  	s5 =	sshll.u32 s26, $0x1;
	_ =	strace $0x80000046;
	[dreg:$0x1] =	wrdreg $0xFFFFFFFF  }
0xa7: {  	s28 =	simm.s32 $_size_execute0_lowered;
	s3 =	sadd.s32 s3, s5;
	[dreg:$0x0] =	wrdreg $0x0  }
0xa8: {  	s5 =	sshll.u32 s28, $0x1;
	[dreg:$0x2] =	wrdreg s3  }
0xa9: {  	[dreg:$0x3] =	wrdreg s5  }
0xaa: {  	[dreg:$0x4] =	wrdreg $0xC0  }
0xab: {  	_ =	task [dreg:s7], $0x5FFFF  }
0xac: {  	[dreg:$0x1] =	wrdreg $0xFFFFFFFF  }
0xad: {  	[dreg:$0x0] =	wrdreg $0x60  }
0xae: {  	[dreg:$0x2] =	wrdreg s24  }
0xaf: {  	[dreg:$0x3] =	wrdreg s2  }
0xb0: {  	[dreg:$0x4] =	wrdreg $0x9  }
0xb1: {  	_ =	task.clear_ibuf [dreg:s7], $0x5FFFF;
	_ =	strace $0x90000046  }
0xb2: {  	s29 =	simm.s32 $0x9;
	_ =	strace $0x80000048  }
0xb3: {  	_ =	swait.ge [sflag:s29], $0x1  }
0xb4: {  	[sflag:s29] =	ssyncadd.s32 $0xFFFFFFFF  }
0xb5: {  	_ =	strace $0x90000048  }
0xb6: {  	_ =	sfence  }
0xb7: {  	s30 =	sld [smem:$0x0];
	_ =	sdelay $0x2  }
0xb8: {  	s31 =	sshll.u32 s1, $0xD;
	s1 =	sshrl.u32 s1, $0x2  }
0xb9: {  	s3 =	sand.u32 $0x4000, s31;
	s1 =	sadd.s32 s1, s30  }
0xba: {  	s0 =	sor.u32 s3, s0;
	s1 =	sshll.u32 s1, $0x11  }
0xbb: {  	s0 =	sor.u32 s1, s0  }
0xbc: {  	s0 =	sadd.s32 $0x8F2B, s0  }
0xbd: {  	[sflag:s0] =	ssyncadd.remote.s32 $0x1  }
0xbe: {  	_ =	sfence.sel $0xFFFF  }
0xbf: {  	[dreg:$0x0] =	wrdreg $0xFFFFFFFF;
	(pc) =	sbr.abs _section_cstart, $3  }
0xc0: {  	[dreg:$0x1] =	wrdreg $0xFFFFFFFF  }
0xc1: {  	_ =	task.clear_ibuf [dreg:s7], $0x2FFFF;
	_ =	strace $0x9FFFFFFF  }
0xc2: {  	(tm) =	ssettm $0x7FFFFFFF  }
0xc3: {  	_ =	shalt  }
tec
execute0_lowered:
.L_overlay_start_1:
0x0: {  	(tag) =	ssettag $0x1  }
0x1: {  	s4 =	rddreg [dreg:$0x0];
	s1 =	srdreg.scid  }
0x2: {  	s0 =	stileid.u32;
	s6 =	rddreg [dreg:$0x1]  }
0x3: {  	s2 =	simm.s32 $0x0;
	s10 =	simm.s32 $0x1900;
	s11 =	simm.s32 $0x80  }
0x4: {  	s12 =	simm.s32 $0x3200;
	s13 =	simm.s32 $0x1;
	s14 =	simm.s32 $0x5200  }
0x5: {  	s15 =	simm.s32 $0x2;
	s3 =	sand.u32 $0x1, s1;
	s5 =	sshll.u32 s0, $0x1  }
0x6: {  	s16 =	simm.s32 $0x7200;
	s17 =	simm.s32 $0x0;
	s5 =	sor.u32 s3, s5  }
0x7: {  	[smem:$0x7FF] =	sst s2;
	s31 =	ssub.s32 $0x2, s3;
	s7 =	smul.u32 $0x320, s5  }
0x8: {  	s1 =	rddreg [dreg:$0x2];
	_ =	strace $0x80000047;
	s9 =	sshrl.u32 s31, $0x1  }
0x9: {  	s3 =	sadd.s32 $0x18F000, s4;
	s9 =	ssub.s32 s31, s9;
	s8 =	sadd.s32 s7, s4  }
0xa: {  	v0 =	vlaneseq.u32;
	s4 =	sadd.s32 $0x252600, s4;
	s6 =	sadd.s32 s6, s7;
	s5 =	sadd.s32 $0x2200, s8  }
0xb: {  	v0 =	vmul.u32 $0x40, v0;
	s7 =	sadd.s32 $0x8600, s8;
	s8 =	smax.u32 s9, $0x1;
	s9 =	simm.s32 $0x3  }
.LBB2_1:
0xc: {  	[tilespmem:s2], [sflag:$0x3] =	stream.linear.gather [hbm4b:s5+s2], $0x1900, $0x38;
	[tilespmem:$0x8B00] =	vst v63  }
0xd: {  	_ =	swait.ge [sflag:s9], $0x1900  }
0xe: {  	[sflag:s9] =	ssyncset.done $0x0  }
0xf: {  	[sflag:s9] =	ssyncadd.s32 $0xFFFFE700  }
0x10: {  	[tilespmem:s10], [sflag:$0x3] =	stream.linear.gather [hbm4b:s6+s2], $0x1900, $0x38;
	[tilespmem:$0x8B00] =	vst v63  }
0x11: {  	_ =	swait.ge [sflag:s9], $0x1900  }
0x12: {  	[sflag:s9] =	ssyncset.done $0x0  }
0x13: {  	s18 =	simm.s32 $0x0;
	[sflag:s9] =	ssyncadd.s32 $0xFFFFE700  }
.LBB2_2:
0x14: {  	s19 =	sshll.u32 s18, $0x7  }
0x15: {  	[tilespmem:s12], [sflag:$0x1] =	stream.indirect.gather [hbm4b:s3+s11], $0x40, s19, s11, $0xb8;
	[tilespmem:$0x8B00] =	vst v63  }
0x16: {  	_ =	swait.ge [sflag:s13], $0x2000  }
0x17: {  	[sflag:s13] =	ssyncset.done $0x0  }
0x18: {  	s20 =	sadd.s32 $0x1900, s19;
	[sflag:s13] =	ssyncadd.s32 $0xFFFFE000  }
0x19: {  	[tilespmem:s14], [sflag:$0x2] =	stream.indirect.gather [hbm4b:s4+s11], $0x40, s20, s11, $0xb8;
	[tilespmem:$0x8B00] =	vst v63  }
0x1a: {  	_ =	swait.ge [sflag:s15], $0x2000  }
0x1b: {  	s31 =	sadd.s32 $0x7200, s19;
	[sflag:s15] =	ssyncset.done $0x0  }
0x1c: {  	s19 =	simm.s32 $0x0;
	v1 =	vmov s31;
	s20 =	simm.s32 $0x0;
	[sflag:s15] =	ssyncadd.s32 $0xFFFFE000  }
.LBB2_3:
0x1d: {  	s21 =	sshll.u32 s20, $0x4;
	v2 =	vmov s19  }
0x1e: {  	v3 =	vmov s21;
	v2 =	vand.u32 $0x3F, v2  }
0x1f: {  	v3 =	vshll.u32 v3, $0x6;
	v2 =	vbroadcast v2, $0x0  }
0x20: {  	v5 =	vor.u32 v0, v3  }
0x21: {  	v2 =	vor.u32 v5, v2  }
0x22: {  	s22 =	simm.s32 $0x1  }
0x23: {  	v3 =	vmov s22  }
0x24: {  	v3 =	vand.u32 $0x3F, v3  }
0x25: {  	v3 =	vbroadcast v3, $0x0  }
0x26: {  	v4 =	vld.idx.msk [tilespmem:v2+s14+$0x0], $0xffff  }
0x27: {  	s31 =	simm.s32 $0x2;
	v8 =	vor.u32 v5, v3;
	v9 =	vld.idx.msk [tilespmem:v2+s12+$0x0], $0xffff  }
0x28: {  	v2 =	vmov s31  }
0x29: {  	v2 =	vand.u32 $0x3F, v2  }
0x2a: {  	v6 =	vbroadcast v2, $0x0  }
0x2b: {  	v2 =	vimm.f32 $0.0e+00;
	v11 =	vmul.f32 v4, v4  }
0x2c: {  	v3 =	vld.idx.msk [tilespmem:v8+s14+$0x0], $0xffff;
	v7 =	vor.u32 v5, v6;
	v6 =	vmul.f32 v4, v9;
	v10 =	vmul.f32 v9, v9  }
0x2d: {  	s22 =	simm.s32 $0x3;
	v4 =	vld.idx.msk [tilespmem:v8+s12+$0x0], $0xffff;
	v9 =	vimm.f32 $0.0e+00;
	v8 =	vadd.f32 v11, v2  }
.LBB2_4:
0x2e: {  	v11 =	vmov s22;
	p0 =	sne.s32 s22, $0x3F;
	s22 =	sadd.s32 $0x1, s22;
	v2 =	vadd.f32 v6, v2;
	v9 =	vadd.f32 v10, v9  }
.Ltmp0:
0x2f: {  	v10 =	vand.u32 $0x3F, v11;
	(pc) =	sbr.rel @p0 .LBB2_4-.Ltmp0, $4  }
0x30: {  	v11 =	vbroadcast v10, $0x0  }
0x31: {  	v12 =	vmul.f32 v3, v3;
	v6 =	vmov v3;
	v3 =	vld.idx.msk [tilespmem:v7+s14+$0x0], $0xffff  }
0x32: {  	v6 =	vmul.f32 v6, v4;
	v10 =	vmul.f32 v4, v4;
	v4 =	vld.idx.msk [tilespmem:v7+s12+$0x0], $0xffff;
	v7 =	vor.u32 v5, v11  }
0x33: {  	v8 =	vadd.f32 v12, v8  }
0x34: {  	_ =	sdelay $0x3  }
0x35: {  	v5 =	vld.idx.msk [tilespmem:v7+s14+$0x0], $0xffff  }
0x36: {  	v58 =	vld.idx.msk [tilespmem:v7+s12+$0x0], $0xffff;
	_ =	sdelay $0x1  }
0x37: {  	v11 =	vmul.f32 v3, v3  }
0x38: {  	v9 =	vadd.f32 v10, v9;
	v59 =	vmul.f32 v4, v4  }
0x39: {  	v8 =	vadd.f32 v11, v8  }
0x3a: {  	v9 =	vadd.f32 v59, v9;
	v60 =	vmul.f32 v5, v5;
	v61 =	vmul.f32 v58, v58;
	_ =	sdelay $0x1  }
0x3b: {  	v8 =	vadd.f32 v60, v8;
	v9 =	vadd.f32 v61, v9;
	_ =	sdelay $0x1  }
0x3c: {  	v9 =	vmax.f32 v9, $9.999999960e-13;
	v8 =	vmax.f32 v8, $9.999999960e-13  }
0x3d: {  	v8 =	vmul.f32 v8, v9;
	_ =	sdelay $0x1  }
0x3e: {  	v9 =	vshra.s32 v8, $0x1;
	v8 =	vmul.f32 $5.000000000e-01, v8  }
0x3f: {  	v9 =	vsub.s32 $0x5F3759DF, v9  }
0x40: {  	v62 =	vmul.f32 v9, v8;
	_ =	sdelay $0x1  }
0x41: {  	v10 =	vmul.f32 v9, v62;
	_ =	sdelay $0x1  }
0x42: {  	v10 =	vsub.f32 $1.500000000e+00, v10;
	_ =	sdelay $0x1  }
0x43: {  	v9 =	vmul.f32 v9, v10;
	_ =	sdelay $0x1  }
0x44: {  	v10 =	vmul.f32 v9, v8;
	_ =	sdelay $0x1  }
0x45: {  	v10 =	vmul.f32 v10, v9;
	_ =	sdelay $0x1  }
0x46: {  	v10 =	vsub.f32 $1.500000000e+00, v10;
	_ =	sdelay $0x1  }
0x47: {  	v9 =	vmul.f32 v10, v9;
	_ =	sdelay $0x1  }
0x48: {  	v8 =	vmul.f32 v9, v8;
	_ =	sdelay $0x1  }
0x49: {  	v2 =	vadd.f32 v6, v2;
	v3 =	vmul.f32 v3, v4;
	v63 =	vmul.f32 v8, v9;
	_ =	sdelay $0x1  }
0x4a: {  	v2 =	vadd.f32 v3, v2;
	v3 =	vmul.f32 v5, v58;
	v4 =	vsub.f32 $1.500000000e+00, v63;
	_ =	sdelay $0x1  }
0x4b: {  	v2 =	vadd.f32 v3, v2;
	v3 =	vmul.f32 v4, v9;
	_ =	sdelay $0x1  }
0x4c: {  	v2 =	vmul.f32 v3, v2;
	_ =	sdelay $0x1  }
0x4d: {  	v2 =	vsub.f32 $0.0e+00, v2;
	_ =	sdelay $0x1  }
0x4e: {  	v2 =	vmul.f32 $1.442695020e+00, v2;
	_ =	sdelay $0x1  }
0x4f: {  	(erf) = vpow2.f32 v2;
	_ =	sdelay $0x8  }
0x50: {  	v2 =	vpop (erf)  }
0x51: {  	v2 =	vadd.f32 $1.000000000e+00, v2;
	_ =	sdelay $0x1  }
0x52: {  	(erf) = vrcp.f32 v2;
	_ =	sdelay $0x3  }
0x53: {  	s20 =	sadd.s32 $0x1, s20  }
0x54: {  	p0 =	sne.s32 s20, $0x8  }
.Ltmp1:
0x55: {  	_ = 	snop;
	(pc) =	sbr.rel @p0 .LBB2_3-.Ltmp1, $3  }
0x56: {  	_ =	sdelay $0x1  }
0x57: {  	v2 =	vpop (erf)  }
0x58: {  	[tilespmem:v1+s21+$0x0 ss:$0x1] =	vst.idx.msk $0xffff, v2  }
0x59: {  	s18 =	sadd.s32 $0x1, s18  }
0x5a: {  	p0 =	sne.s32 s18, $0x32  }
.Ltmp2:
0x5b: {  	_ = 	snop;
	(pc) =	sbr.rel @p0 .LBB2_2-.Ltmp2, $1  }
0x5c: {  	_ =	sdelay $0x3  }
0x5d: {  	s17 =	sadd.s32 $0x1, s17  }
0x5e: {  	p0 =	sne.s32 s17, s8  }
.Ltmp3:
0x5f: {  	_ = 	snop;
	(pc) =	sbr.rel @p0 .LBB2_1-.Ltmp3, $4  }
0x60: {  	[hbm4b:s7+s2] =	stream.linear.scatter [tilespmem:s16], [sflag:$0x3], $0x1900, $0x38;
	[tilespmem:$0x8B00] =	vst v63  }
0x61: {  	_ =	swait.ge [sflag:s9], $0x1900  }
0x62: {  	[sflag:s9] =	ssyncset.done $0x0  }
0x63: {  	[sflag:s9] =	ssyncadd.s32 $0xFFFFE700  }
0x64: {  	_ =	sfence.sel $0x180000  }
0x65: {  	[bflag:$0x0] =	sbarrier.arrive $0xFFFF  }
0x66: {  	p0 =	sne.s32 s0, $0x0;
	_ =	strace $0x90000047  }
0x67: {  	s0 =	sadd.s32 @!p0 $0x100000, s1;
	[bflag:$0x2] =	sbarrier.arrive $0xFFFF  }
0x68: {  	[sflag:s0] =	ssyncadd.tile.s32 @!p0 $0x1;
	_ =	shalt  }
.Lfunc_end2:
_tile_overlayer_lowered:
.L_overlay_start_2:
0x69: {  	(tag) =	ssettag $0x2  }
0x6a: {  	s0 =	rddreg [dreg:$0x0];
	s2 =	stileid.u32  }
0x6b: {  	s1 =	rddreg [dreg:$0x1];
	p0 =	sne.s32 s2, $0x0  }
0x6c: {  	s3 =	rddreg [dreg:$0x2];
	[bflag:$0x3] =	sbarrier.arrive $0xFFFF;
	s2 =	simm.s32 @!p0 $0x1C03  }
0x6d: {  	[timem:s3], [sflag:s2] =	dma.local @!p0 [hbm:s0], s1  }
0x6e: {  	s0 =	simm.s32 @!p0 $0x3  }
0x6f: {  	_ =	swait.ge @!p0 [sflag:s0], s1  }
0x70: {  	s1 =	ssub.s32 @!p0 $0x0, s1;
	[sflag:s0] =	ssyncset.done @!p0 $0x0  }
0x71: {  	[sflag:s0] =	ssyncadd.s32 @!p0 s1  }
0x72: {  	[bflag:$0x3] =	sbarrier.arrive $0xFFFF  }
0x73: {  	_ =	shalt  }

</sc_bundles>
